<compile_context>
chip_gen: v7x
topology: tpu7x:2x2x1
jax: 0.10.2.dev20260603
libtpu: 0.0.44.dev20260713+nightly
codegen_flags: <defaults>
</compile_context>

<pallas_src>
import jax
import jax.numpy as jnp
from jax import lax
from jax.experimental import pallas as pl
from jax.experimental.pallas import tpu as pltpu
from jax.experimental.pallas import tpu_sc as plsc

_B = 4
_S = 2048
_H = 768
_L = 16


def _last_token_gather(ids_hbm, table_hbm, out_hbm, ids_v, idx_v, rows_v, sem):
    wid = lax.axis_index("s") * 2 + lax.axis_index("c")

    @pl.when(wid == 0)
    def _():
        for b in range(_B):
            pltpu.sync_copy(ids_hbm.at[b, pl.ds(_S - _L, _L)], ids_v.at[pl.ds(b * _L, _L)])
        lanes = lax.iota(jnp.int32, _L)
        acc = jnp.zeros((_L,), jnp.int32)
        for b in range(_B):
            chunk = ids_v[pl.ds(b * _L, _L)]
            acc = jnp.where(lax.rem(lanes, jnp.int32(_B)) == b, chunk[_L - 1], acc)
        idx_v[...] = acc
        pltpu.async_copy(table_hbm.at[idx_v], rows_v, sem).wait()
        pltpu.sync_copy(rows_v.at[pl.ds(0, _B)], out_hbm)


def kernel(input_ids, positions, emb_table):
    del positions
    ids32 = input_ids.astype(jnp.int32)
    mesh = plsc.VectorSubcoreMesh(core_axis_name="c", subcore_axis_name="s")
    return pl.kernel(
        _last_token_gather,
        mesh=mesh,
        out_type=jax.ShapeDtypeStruct((_B, _H), jnp.float32),
        scratch_types=[
            pltpu.VMEM((_B * _L,), jnp.int32),
            pltpu.VMEM((_L,), jnp.int32),
            pltpu.VMEM((_L, _H), jnp.float32),
            pltpu.SemaphoreType.DMA,
        ],
    )(ids32, emb_table)

# --- scband reference (transcript-rebuilt; emitter-appended) ---
"""Pipeline reference for scband-modern-bert-for-masked-lmfor-embedding-29205777613360 (READ-ONLY COPY).

The authoritative reference and input builder live on the scoring server;
editing this copy changes nothing except your own understanding.
"""

import jax, jax.numpy as jnp
import numpy as np

VOCAB = 50368
HIDDEN = 768
B = 4
S = 2048

def setup_inputs(seed: int = 0) -> dict:
    key = jax.random.key(seed)
    k_ids, k_emb = jax.random.split(key)
    input_ids = jax.random.randint(k_ids, (B, S), 0, VOCAB, dtype=jnp.int64 if jax.config.jax_enable_x64 else jnp.int32)
    positions = jnp.broadcast_to(jnp.arange(S), (B, S))
    emb_table = jax.random.normal(k_emb, (VOCAB, HIDDEN), dtype=jnp.float32) * 0.02
    return {"input_ids": input_ids, "positions": positions, "emb_table": emb_table}

def reference(input_ids, positions, emb_table):
    # embeddings = self.embeddings(input_ids)  -> vocab-parallel embedding lookup
    embeddings = jnp.take(emb_table, input_ids, axis=0)  # [B, S, HIDDEN]
    # SequenceOutput(output_token=embeddings[:, -1, :])
    output_token = embeddings[:, -1, :]  # [B, HIDDEN]
    return output_token

if __name__ == "__main__":
    import jax
    _d = setup_inputs()
    print(jax.jit(kernel)(*tuple(_d.values())))

</pallas_src>

<mosaic_0001>
#map = affine_map<(d0, d1) -> (0, 0)>
module attributes {stable_mosaic.version = 14 : i64} {
  func.func @_last_token_gather(%arg0: i32, %arg1: i32, %arg2: memref<4x2048xi32, #tpu.memory_space<hbm>>, %arg3: memref<50368x768xf32, #tpu.memory_space<hbm>>, %arg4: memref<4x768xf32, #tpu.memory_space<hbm>>, %arg5: memref<64xi32, #tpu.memory_space<vmem>>, %arg6: memref<16xi32, #tpu.memory_space<vmem>>, %arg7: memref<16x768xf32, #tpu.memory_space<vmem>>, %arg8: memref<!tpu.dma_semaphore, #tpu.memory_space<semaphore_mem>>) attributes {dimension_semantics = [#tpu.dimension_semantics<core_parallel>, #tpu.dimension_semantics<subcore_parallel>], iteration_bounds = array<i64: 2, 16>, scalar_prefetch = 0 : i64, scratch_operands = 4 : i64, tpu.core_type = #tpu.core_type<sc_vector_subcore>, window_params = [{transform_indices = #map}, {transform_indices = #map}, {transform_indices = #map}]} {
    %mul3A = arith.constant 2 : i32
    %mul3A_0 = arith.muli %arg1, %mul3A : i32
    %add3A = arith.addi %mul3A_0, %arg0 : i32
    %eq3A = arith.constant 0 : i32
    %eq3A_1 = arith.cmpi eq, %add3A, %eq3A : i32
    %convert_element_type3A = arith.extui %eq3A_1 : i1 to i32
    %cond3A = arith.constant 0 : i32
    %cond3A_2 = arith.cmpi ne, %convert_element_type3A, %cond3A : i32
    scf.if %cond3A_2 {
      %run_scoped3A = arith.constant 0 : i32
      "tpu.region"() ({
        %run_scoped3A_61 = tpu.sem_alloc : memref<!tpu.dma_semaphore, #tpu.memory_space<semaphore_mem>>
        %dma_start3A_62 = arith.constant 0 : i32
        %dma_start3A_63 = tpu.memref_slice %arg5[%dma_start3A_62] : memref<64xi32, #tpu.memory_space<vmem>> -> memref<16xi32, #tpu.memory_space<vmem>>
        %dma_start3A_64 = arith.constant 2032 : i32
        %dma_start3A_65 = tpu.memref_slice %arg2[%run_scoped3A, %dma_start3A_64] : memref<4x2048xi32, #tpu.memory_space<hbm>> -> memref<1x16xi32, #tpu.memory_space<hbm>>
        %dma_start3A_66 = tpu.memref_squeeze %dma_start3A_65 : memref<1x16xi32, #tpu.memory_space<hbm>> -> memref<16xi32, #tpu.memory_space<hbm>>
        %dma_start3A_67 = arith.constant 0 : i32
        %dma_start3A_68 = tpu.memref_slice %arg5[%dma_start3A_67] : memref<64xi32, #tpu.memory_space<vmem>> -> memref<16xi32, #tpu.memory_space<vmem>>
        %dma_start3A_69 = arith.constant 2032 : i32
        %dma_start3A_70 = tpu.memref_slice %arg2[%run_scoped3A, %dma_start3A_69] : memref<4x2048xi32, #tpu.memory_space<hbm>> -> memref<1x16xi32, #tpu.memory_space<hbm>>
        %dma_start3A_71 = tpu.memref_squeeze %dma_start3A_70 : memref<1x16xi32, #tpu.memory_space<hbm>> -> memref<16xi32, #tpu.memory_space<hbm>>
        tpu.enqueue_dma source(%dma_start3A_71 : memref<16xi32, #tpu.memory_space<hbm>>) target(%dma_start3A_68 : memref<16xi32, #tpu.memory_space<vmem>>) target_semaphore(%run_scoped3A_61 : memref<!tpu.dma_semaphore, #tpu.memory_space<semaphore_mem>>)
        %dma_wait3A_72 = arith.constant 0 : i32
        %dma_wait3A_73 = tpu.memref_slice %arg5[%dma_wait3A_72] : memref<64xi32, #tpu.memory_space<vmem>> -> memref<16xi32, #tpu.memory_space<vmem>>
        %dma_wait3A_74 = arith.constant 2032 : i32
        %dma_wait3A_75 = tpu.memref_slice %arg2[%run_scoped3A, %dma_wait3A_74] : memref<4x2048xi32, #tpu.memory_space<hbm>> -> memref<1x16xi32, #tpu.memory_space<hbm>>
        %dma_wait3A_76 = tpu.memref_squeeze %dma_wait3A_75 : memref<1x16xi32, #tpu.memory_space<hbm>> -> memref<16xi32, #tpu.memory_space<hbm>>
        %dma_wait3A_77 = arith.constant 0 : i32
        %dma_wait3A_78 = tpu.memref_slice %arg5[%dma_wait3A_77] : memref<64xi32, #tpu.memory_space<vmem>> -> memref<16xi32, #tpu.memory_space<vmem>>
        %dma_wait3A_79 = arith.constant 2032 : i32
        %dma_wait3A_80 = tpu.memref_slice %arg2[%run_scoped3A, %dma_wait3A_79] : memref<4x2048xi32, #tpu.memory_space<hbm>> -> memref<1x16xi32, #tpu.memory_space<hbm>>
        %dma_wait3A_81 = tpu.memref_squeeze %dma_wait3A_80 : memref<1x16xi32, #tpu.memory_space<hbm>> -> memref<16xi32, #tpu.memory_space<hbm>>
        tpu.wait_dma2 semaphore(%run_scoped3A_61 : memref<!tpu.dma_semaphore, #tpu.memory_space<semaphore_mem>>) src(%dma_wait3A_81 : memref<16xi32, #tpu.memory_space<hbm>>) dst(%dma_wait3A_78 : memref<16xi32, #tpu.memory_space<vmem>>)
        tpu.yield
      }) : () -> ()
      %run_scoped3A_3 = arith.constant 1 : i32
      "tpu.region"() ({
        %run_scoped3A_61 = tpu.sem_alloc : memref<!tpu.dma_semaphore, #tpu.memory_space<semaphore_mem>>
        %dma_start3A_62 = arith.constant 16 : i32
        %dma_start3A_63 = tpu.memref_slice %arg5[%dma_start3A_62] : memref<64xi32, #tpu.memory_space<vmem>> -> memref<16xi32, #tpu.memory_space<vmem>>
        %dma_start3A_64 = arith.constant 2032 : i32
        %dma_start3A_65 = tpu.memref_slice %arg2[%run_scoped3A_3, %dma_start3A_64] : memref<4x2048xi32, #tpu.memory_space<hbm>> -> memref<1x16xi32, #tpu.memory_space<hbm>>
        %dma_start3A_66 = tpu.memref_squeeze %dma_start3A_65 : memref<1x16xi32, #tpu.memory_space<hbm>> -> memref<16xi32, #tpu.memory_space<hbm>>
        %dma_start3A_67 = arith.constant 16 : i32
        %dma_start3A_68 = tpu.memref_slice %arg5[%dma_start3A_67] : memref<64xi32, #tpu.memory_space<vmem>> -> memref<16xi32, #tpu.memory_space<vmem>>
        %dma_start3A_69 = arith.constant 2032 : i32
        %dma_start3A_70 = tpu.memref_slice %arg2[%run_scoped3A_3, %dma_start3A_69] : memref<4x2048xi32, #tpu.memory_space<hbm>> -> memref<1x16xi32, #tpu.memory_space<hbm>>
        %dma_start3A_71 = tpu.memref_squeeze %dma_start3A_70 : memref<1x16xi32, #tpu.memory_space<hbm>> -> memref<16xi32, #tpu.memory_space<hbm>>
        tpu.enqueue_dma source(%dma_start3A_71 : memref<16xi32, #tpu.memory_space<hbm>>) target(%dma_start3A_68 : memref<16xi32, #tpu.memory_space<vmem>>) target_semaphore(%run_scoped3A_61 : memref<!tpu.dma_semaphore, #tpu.memory_space<semaphore_mem>>)
        %dma_wait3A_72 = arith.constant 16 : i32
        %dma_wait3A_73 = tpu.memref_slice %arg5[%dma_wait3A_72] : memref<64xi32, #tpu.memory_space<vmem>> -> memref<16xi32, #tpu.memory_space<vmem>>
        %dma_wait3A_74 = arith.constant 2032 : i32
        %dma_wait3A_75 = tpu.memref_slice %arg2[%run_scoped3A_3, %dma_wait3A_74] : memref<4x2048xi32, #tpu.memory_space<hbm>> -> memref<1x16xi32, #tpu.memory_space<hbm>>
        %dma_wait3A_76 = tpu.memref_squeeze %dma_wait3A_75 : memref<1x16xi32, #tpu.memory_space<hbm>> -> memref<16xi32, #tpu.memory_space<hbm>>
        %dma_wait3A_77 = arith.constant 16 : i32
        %dma_wait3A_78 = tpu.memref_slice %arg5[%dma_wait3A_77] : memref<64xi32, #tpu.memory_space<vmem>> -> memref<16xi32, #tpu.memory_space<vmem>>
        %dma_wait3A_79 = arith.constant 2032 : i32
        %dma_wait3A_80 = tpu.memref_slice %arg2[%run_scoped3A_3, %dma_wait3A_79] : memref<4x2048xi32, #tpu.memory_space<hbm>> -> memref<1x16xi32, #tpu.memory_space<hbm>>
        %dma_wait3A_81 = tpu.memref_squeeze %dma_wait3A_80 : memref<1x16xi32, #tpu.memory_space<hbm>> -> memref<16xi32, #tpu.memory_space<hbm>>
        tpu.wait_dma2 semaphore(%run_scoped3A_61 : memref<!tpu.dma_semaphore, #tpu.memory_space<semaphore_mem>>) src(%dma_wait3A_81 : memref<16xi32, #tpu.memory_space<hbm>>) dst(%dma_wait3A_78 : memref<16xi32, #tpu.memory_space<vmem>>)
        tpu.yield
      }) : () -> ()
      %run_scoped3A_4 = arith.constant 2 : i32
      "tpu.region"() ({
        %run_scoped3A_61 = tpu.sem_alloc : memref<!tpu.dma_semaphore, #tpu.memory_space<semaphore_mem>>
        %dma_start3A_62 = arith.constant 32 : i32
        %dma_start3A_63 = tpu.memref_slice %arg5[%dma_start3A_62] : memref<64xi32, #tpu.memory_space<vmem>> -> memref<16xi32, #tpu.memory_space<vmem>>
        %dma_start3A_64 = arith.constant 2032 : i32
        %dma_start3A_65 = tpu.memref_slice %arg2[%run_scoped3A_4, %dma_start3A_64] : memref<4x2048xi32, #tpu.memory_space<hbm>> -> memref<1x16xi32, #tpu.memory_space<hbm>>
        %dma_start3A_66 = tpu.memref_squeeze %dma_start3A_65 : memref<1x16xi32, #tpu.memory_space<hbm>> -> memref<16xi32, #tpu.memory_space<hbm>>
        %dma_start3A_67 = arith.constant 32 : i32
        %dma_start3A_68 = tpu.memref_slice %arg5[%dma_start3A_67] : memref<64xi32, #tpu.memory_space<vmem>> -> memref<16xi32, #tpu.memory_space<vmem>>
        %dma_start3A_69 = arith.constant 2032 : i32
        %dma_start3A_70 = tpu.memref_slice %arg2[%run_scoped3A_4, %dma_start3A_69] : memref<4x2048xi32, #tpu.memory_space<hbm>> -> memref<1x16xi32, #tpu.memory_space<hbm>>
        %dma_start3A_71 = tpu.memref_squeeze %dma_start3A_70 : memref<1x16xi32, #tpu.memory_space<hbm>> -> memref<16xi32, #tpu.memory_space<hbm>>
        tpu.enqueue_dma source(%dma_start3A_71 : memref<16xi32, #tpu.memory_space<hbm>>) target(%dma_start3A_68 : memref<16xi32, #tpu.memory_space<vmem>>) target_semaphore(%run_scoped3A_61 : memref<!tpu.dma_semaphore, #tpu.memory_space<semaphore_mem>>)
        %dma_wait3A_72 = arith.constant 32 : i32
        %dma_wait3A_73 = tpu.memref_slice %arg5[%dma_wait3A_72] : memref<64xi32, #tpu.memory_space<vmem>> -> memref<16xi32, #tpu.memory_space<vmem>>
        %dma_wait3A_74 = arith.constant 2032 : i32
        %dma_wait3A_75 = tpu.memref_slice %arg2[%run_scoped3A_4, %dma_wait3A_74] : memref<4x2048xi32, #tpu.memory_space<hbm>> -> memref<1x16xi32, #tpu.memory_space<hbm>>
        %dma_wait3A_76 = tpu.memref_squeeze %dma_wait3A_75 : memref<1x16xi32, #tpu.memory_space<hbm>> -> memref<16xi32, #tpu.memory_space<hbm>>
        %dma_wait3A_77 = arith.constant 32 : i32
        %dma_wait3A_78 = tpu.memref_slice %arg5[%dma_wait3A_77] : memref<64xi32, #tpu.memory_space<vmem>> -> memref<16xi32, #tpu.memory_space<vmem>>
        %dma_wait3A_79 = arith.constant 2032 : i32
        %dma_wait3A_80 = tpu.memref_slice %arg2[%run_scoped3A_4, %dma_wait3A_79] : memref<4x2048xi32, #tpu.memory_space<hbm>> -> memref<1x16xi32, #tpu.memory_space<hbm>>
        %dma_wait3A_81 = tpu.memref_squeeze %dma_wait3A_80 : memref<1x16xi32, #tpu.memory_space<hbm>> -> memref<16xi32, #tpu.memory_space<hbm>>
        tpu.wait_dma2 semaphore(%run_scoped3A_61 : memref<!tpu.dma_semaphore, #tpu.memory_space<semaphore_mem>>) src(%dma_wait3A_81 : memref<16xi32, #tpu.memory_space<hbm>>) dst(%dma_wait3A_78 : memref<16xi32, #tpu.memory_space<vmem>>)
        tpu.yield
      }) : () -> ()
      %run_scoped3A_5 = arith.constant 3 : i32
      "tpu.region"() ({
        %run_scoped3A_61 = tpu.sem_alloc : memref<!tpu.dma_semaphore, #tpu.memory_space<semaphore_mem>>
        %dma_start3A_62 = arith.constant 48 : i32
        %dma_start3A_63 = tpu.memref_slice %arg5[%dma_start3A_62] : memref<64xi32, #tpu.memory_space<vmem>> -> memref<16xi32, #tpu.memory_space<vmem>>
        %dma_start3A_64 = arith.constant 2032 : i32
        %dma_start3A_65 = tpu.memref_slice %arg2[%run_scoped3A_5, %dma_start3A_64] : memref<4x2048xi32, #tpu.memory_space<hbm>> -> memref<1x16xi32, #tpu.memory_space<hbm>>
        %dma_start3A_66 = tpu.memref_squeeze %dma_start3A_65 : memref<1x16xi32, #tpu.memory_space<hbm>> -> memref<16xi32, #tpu.memory_space<hbm>>
        %dma_start3A_67 = arith.constant 48 : i32
        %dma_start3A_68 = tpu.memref_slice %arg5[%dma_start3A_67] : memref<64xi32, #tpu.memory_space<vmem>> -> memref<16xi32, #tpu.memory_space<vmem>>
        %dma_start3A_69 = arith.constant 2032 : i32
        %dma_start3A_70 = tpu.memref_slice %arg2[%run_scoped3A_5, %dma_start3A_69] : memref<4x2048xi32, #tpu.memory_space<hbm>> -> memref<1x16xi32, #tpu.memory_space<hbm>>
        %dma_start3A_71 = tpu.memref_squeeze %dma_start3A_70 : memref<1x16xi32, #tpu.memory_space<hbm>> -> memref<16xi32, #tpu.memory_space<hbm>>
        tpu.enqueue_dma source(%dma_start3A_71 : memref<16xi32, #tpu.memory_space<hbm>>) target(%dma_start3A_68 : memref<16xi32, #tpu.memory_space<vmem>>) target_semaphore(%run_scoped3A_61 : memref<!tpu.dma_semaphore, #tpu.memory_space<semaphore_mem>>)
        %dma_wait3A_72 = arith.constant 48 : i32
        %dma_wait3A_73 = tpu.memref_slice %arg5[%dma_wait3A_72] : memref<64xi32, #tpu.memory_space<vmem>> -> memref<16xi32, #tpu.memory_space<vmem>>
        %dma_wait3A_74 = arith.constant 2032 : i32
        %dma_wait3A_75 = tpu.memref_slice %arg2[%run_scoped3A_5, %dma_wait3A_74] : memref<4x2048xi32, #tpu.memory_space<hbm>> -> memref<1x16xi32, #tpu.memory_space<hbm>>
        %dma_wait3A_76 = tpu.memref_squeeze %dma_wait3A_75 : memref<1x16xi32, #tpu.memory_space<hbm>> -> memref<16xi32, #tpu.memory_space<hbm>>
        %dma_wait3A_77 = arith.constant 48 : i32
        %dma_wait3A_78 = tpu.memref_slice %arg5[%dma_wait3A_77] : memref<64xi32, #tpu.memory_space<vmem>> -> memref<16xi32, #tpu.memory_space<vmem>>
        %dma_wait3A_79 = arith.constant 2032 : i32
        %dma_wait3A_80 = tpu.memref_slice %arg2[%run_scoped3A_5, %dma_wait3A_79] : memref<4x2048xi32, #tpu.memory_space<hbm>> -> memref<1x16xi32, #tpu.memory_space<hbm>>
        %dma_wait3A_81 = tpu.memref_squeeze %dma_wait3A_80 : memref<1x16xi32, #tpu.memory_space<hbm>> -> memref<16xi32, #tpu.memory_space<hbm>>
        tpu.wait_dma2 semaphore(%run_scoped3A_61 : memref<!tpu.dma_semaphore, #tpu.memory_space<semaphore_mem>>) src(%dma_wait3A_81 : memref<16xi32, #tpu.memory_space<hbm>>) dst(%dma_wait3A_78 : memref<16xi32, #tpu.memory_space<vmem>>)
        tpu.yield
      }) : () -> ()
      %iota3A = tpu.iota {dimensions = array<i32: 0>} : vector<16xi32>
      %broadcast_in_dim3A = arith.constant 0 : i32
      %broadcast_in_dim3A_6 = vector.broadcast %broadcast_in_dim3A : i32 to vector<16xi32>
      %get3A = arith.constant 0 : index
      %get3A_7 = tpu.vector_load %arg5[%get3A] {strides = array<i32>} : memref<64xi32, #tpu.memory_space<vmem>>, vector<16xi32>,
      %get3A_8 = vector.shape_cast %get3A_7 : vector<16xi32> to vector<16xi32>
      %rem3A = arith.constant 4 : i32
      %rem3A_9 = vector.broadcast %rem3A : i32 to vector<16xi32>
      %rem3A_10 = arith.remsi %iota3A, %rem3A_9 : vector<16xi32>
      %eq3A_11 = arith.constant 0 : i32
      %eq3A_12 = vector.broadcast %eq3A_11 : i32 to vector<16xi32>
      %eq3A_13 = arith.cmpi eq, %rem3A_10, %eq3A_12 : vector<16xi32>
      %slice3A = vector.extract_strided_slice %get3A_8 {offsets = [15], sizes = [1], strides = [1]} : vector<16xi32> to vector<1xi32>
      %squeeze3A = vector.extract %slice3A[0] : i32 from vector<1xi32>
      %broadcast_in_dim3A_14 = vector.broadcast %squeeze3A : i32 to vector<16xi32>
      %select_n3A = arith.select %eq3A_13, %broadcast_in_dim3A_14, %broadcast_in_dim3A_6 : vector<16xi1>, vector<16xi32>
      %get3A_15 = arith.constant 16 : index
      %get3A_16 = tpu.vector_load %arg5[%get3A_15] {strides = array<i32>} : memref<64xi32, #tpu.memory_space<vmem>>, vector<16xi32>,
      %get3A_17 = vector.shape_cast %get3A_16 : vector<16xi32> to vector<16xi32>
      %rem3A_18 = arith.constant 4 : i32
      %rem3A_19 = vector.broadcast %rem3A_18 : i32 to vector<16xi32>
      %rem3A_20 = arith.remsi %iota3A, %rem3A_19 : vector<16xi32>
      %eq3A_21 = arith.constant 1 : i32
      %eq3A_22 = vector.broadcast %eq3A_21 : i32 to vector<16xi32>
      %eq3A_23 = arith.cmpi eq, %rem3A_20, %eq3A_22 : vector<16xi32>
      %slice3A_24 = vector.extract_strided_slice %get3A_17 {offsets = [15], sizes = [1], strides = [1]} : vector<16xi32> to vector<1xi32>
      %squeeze3A_25 = vector.extract %slice3A_24[0] : i32 from vector<1xi32>
      %broadcast_in_dim3A_26 = vector.broadcast %squeeze3A_25 : i32 to vector<16xi32>
      %select_n3A_27 = arith.select %eq3A_23, %broadcast_in_dim3A_26, %select_n3A : vector<16xi1>, vector<16xi32>
      %get3A_28 = arith.constant 32 : index
      %get3A_29 = tpu.vector_load %arg5[%get3A_28] {strides = array<i32>} : memref<64xi32, #tpu.memory_space<vmem>>, vector<16xi32>,
      %get3A_30 = vector.shape_cast %get3A_29 : vector<16xi32> to vector<16xi32>
      %rem3A_31 = arith.constant 4 : i32
      %rem3A_32 = vector.broadcast %rem3A_31 : i32 to vector<16xi32>
      %rem3A_33 = arith.remsi %iota3A, %rem3A_32 : vector<16xi32>
      %eq3A_34 = arith.constant 2 : i32
      %eq3A_35 = vector.broadcast %eq3A_34 : i32 to vector<16xi32>
      %eq3A_36 = arith.cmpi eq, %rem3A_33, %eq3A_35 : vector<16xi32>
      %slice3A_37 = vector.extract_strided_slice %get3A_30 {offsets = [15], sizes = [1], strides = [1]} : vector<16xi32> to vector<1xi32>
      %squeeze3A_38 = vector.extract %slice3A_37[0] : i32 from vector<1xi32>
      %broadcast_in_dim3A_39 = vector.broadcast %squeeze3A_38 : i32 to vector<16xi32>
      %select_n3A_40 = arith.select %eq3A_36, %broadcast_in_dim3A_39, %select_n3A_27 : vector<16xi1>, vector<16xi32>
      %get3A_41 = arith.constant 48 : index
      %get3A_42 = tpu.vector_load %arg5[%get3A_41] {strides = array<i32>} : memref<64xi32, #tpu.memory_space<vmem>>, vector<16xi32>,
      %get3A_43 = vector.shape_cast %get3A_42 : vector<16xi32> to vector<16xi32>
      %rem3A_44 = arith.constant 4 : i32
      %rem3A_45 = vector.broadcast %rem3A_44 : i32 to vector<16xi32>
      %rem3A_46 = arith.remsi %iota3A, %rem3A_45 : vector<16xi32>
      %eq3A_47 = arith.constant 3 : i32
      %eq3A_48 = vector.broadcast %eq3A_47 : i32 to vector<16xi32>
      %eq3A_49 = arith.cmpi eq, %rem3A_46, %eq3A_48 : vector<16xi32>
      %slice3A_50 = vector.extract_strided_slice %get3A_43 {offsets = [15], sizes = [1], strides = [1]} : vector<16xi32> to vector<1xi32>
      %squeeze3A_51 = vector.extract %slice3A_50[0] : i32 from vector<1xi32>
      %broadcast_in_dim3A_52 = vector.broadcast %squeeze3A_51 : i32 to vector<16xi32>
      %select_n3A_53 = arith.select %eq3A_49, %broadcast_in_dim3A_52, %select_n3A_40 : vector<16xi1>, vector<16xi32>
      %swap3A = arith.constant 0 : index
      %swap3A_54 = tpu.vector_load %arg6[%swap3A] {strides = array<i32>} : memref<16xi32, #tpu.memory_space<vmem>>, vector<16xi32>,
      %swap3A_55 = vector.shape_cast %swap3A_54 : vector<16xi32> to vector<16xi32>
      %swap3A_56 = vector.shape_cast %select_n3A_53 : vector<16xi32> to vector<16xi32>
      tpu.vector_store %arg6[%swap3A], %swap3A_56 {strides = array<i32>} : memref<16xi32, #tpu.memory_space<vmem>>, vector<16xi32>,
      %dma_start3A = arith.constant 0 : i32
      %dma_start3A_57 = arith.constant 0 : i32
      %dma_start3A_58 = tpu.memref_slice %arg3[%dma_start3A, %dma_start3A_57] : memref<50368x768xf32, #tpu.memory_space<hbm>> -> memref<50368x768xf32, #tpu.memory_space<hbm>>
      tpu.enqueue_indirect_dma source(%dma_start3A_58 : memref<50368x768xf32, #tpu.memory_space<hbm>>) target(%arg7 : memref<16x768xf32, #tpu.memory_space<vmem>>) offsets(%arg6 : memref<16xi32, #tpu.memory_space<vmem>>) semaphore(%arg8 : memref<!tpu.dma_semaphore, #tpu.memory_space<semaphore_mem>>)
      %dma_wait3A = arith.constant 0 : i32
      %dma_wait3A_59 = arith.constant 0 : i32
      %dma_wait3A_60 = tpu.memref_slice %arg3[%dma_wait3A, %dma_wait3A_59] : memref<50368x768xf32, #tpu.memory_space<hbm>> -> memref<50368x768xf32, #tpu.memory_space<hbm>>
      tpu.wait_indirect_dma semaphore(%arg8 : memref<!tpu.dma_semaphore, #tpu.memory_space<semaphore_mem>>) src(%dma_wait3A_60 : memref<50368x768xf32, #tpu.memory_space<hbm>>) dst(%arg7 : memref<16x768xf32, #tpu.memory_space<vmem>>)
      "tpu.region"() ({
        %run_scoped3A_61 = tpu.sem_alloc : memref<!tpu.dma_semaphore, #tpu.memory_space<semaphore_mem>>
        %dma_start3A_62 = arith.constant 0 : i32
        %dma_start3A_63 = arith.constant 0 : i32
        %dma_start3A_64 = tpu.memref_slice %arg7[%dma_start3A_62, %dma_start3A_63] : memref<16x768xf32, #tpu.memory_space<vmem>> -> memref<4x768xf32, #tpu.memory_space<vmem>>
        %dma_start3A_65 = arith.constant 0 : i32
        %dma_start3A_66 = arith.constant 0 : i32
        %dma_start3A_67 = tpu.memref_slice %arg7[%dma_start3A_65, %dma_start3A_66] : memref<16x768xf32, #tpu.memory_space<vmem>> -> memref<4x768xf32, #tpu.memory_space<vmem>>
        tpu.enqueue_dma source(%dma_start3A_67 : memref<4x768xf32, #tpu.memory_space<vmem>>) target(%arg4 : memref<4x768xf32, #tpu.memory_space<hbm>>) target_semaphore(%run_scoped3A_61 : memref<!tpu.dma_semaphore, #tpu.memory_space<semaphore_mem>>)
        %dma_wait3A_68 = arith.constant 0 : i32
        %dma_wait3A_69 = arith.constant 0 : i32
        %dma_wait3A_70 = tpu.memref_slice %arg7[%dma_wait3A_68, %dma_wait3A_69] : memref<16x768xf32, #tpu.memory_space<vmem>> -> memref<4x768xf32, #tpu.memory_space<vmem>>
        %dma_wait3A_71 = arith.constant 0 : i32
        %dma_wait3A_72 = arith.constant 0 : i32
        %dma_wait3A_73 = tpu.memref_slice %arg7[%dma_wait3A_71, %dma_wait3A_72] : memref<16x768xf32, #tpu.memory_space<vmem>> -> memref<4x768xf32, #tpu.memory_space<vmem>>
        tpu.wait_dma2 semaphore(%run_scoped3A_61 : memref<!tpu.dma_semaphore, #tpu.memory_space<semaphore_mem>>) src(%dma_wait3A_73 : memref<4x768xf32, #tpu.memory_space<vmem>>) dst(%arg4 : memref<4x768xf32, #tpu.memory_space<hbm>>)
        tpu.yield
      }) : () -> ()
    } else {
    }
    return
  }
}

</mosaic_0001>

<sc_bundles>
// kernel: kernel.3.cloned.1.call-start
scs
__scs_entry_jumppad:
0x0: {  	(pc) =	sbr.rel $0x88, $3  }
0x1: {  	(tag) =	ssettag $0x0;
	lr =	simm.s32 $0x1  }
0x2: {  	[smem:$0x3F9F] =	sst lr;
	_ =	strace $0xD0000000  }
0x3: {  	_ = 	snop  }
0x4: {  	_ = 	snop  }
0x5: {  	_ = 	snop  }
0x6: {  	_ = 	snop  }
0x7: {  	_ = 	snop  }
__scs_overlays_trampoline_lowered:
0x8: {  	[smem:$0x3FAE] =	sst s0  }
0x9: {  	[smem:$0x3FAF] =	sst s1  }
0xa: {  	[smem:$0x3FB0] =	sst s2  }
0xb: {  	[smem:$0x3FB1] =	sst s3  }
0xc: {  	[smem:$0x3FB2] =	sst s4  }
0xd: {  	[smem:$0x3FB3] =	sst s5  }
0xe: {  	[smem:$0x3FB4] =	sst s6  }
0xf: {  	[smem:$0x3FB5] =	sst s7  }
0x10: {  	[smem:$0x3FB6] =	sst s8  }
0x11: {  	[smem:$0x3FB7] =	sst s9;
	s0 =	simm.s32 @!p0 $0x0  }
0x12: {  	s1 =	sld [smem:$0x3F9D];
	s0 =	simm.s32 @p0 $0x1  }
0x13: {  	[smem:$0x3FB8] =	sst s0;
	s0 =	simm.s32 @!p1 $0x0  }
0x14: {  	s2 =	sld [smem:$0x3F9C];
	s0 =	simm.s32 @p1 $0x1  }
0x15: {  	[smem:$0x3FB9] =	sst s0;
	s0 =	simm.s32 @!p2 $0x0  }
0x16: {  	s3 =	sld [smem:$0x3FDB];
	s0 =	simm.s32 @p2 $0x1  }
0x17: {  	s4 =	simm.s32 $0x1BF5;
	[smem:$0x3FBB] =	sst s0  }
0x18: {  	s0 =	sld [smem:$0x3F9E];
	_ =	swait.ge [sflag:s4], $0x0  }
0x19: {  	s7 =	sld [smem:$0x3F9F]  }
0x1a: {  	s8 =	sadd.s32 $0xFFFFE003, lr  }
0x1b: {  	s9 =	sadd.s32 $0xFFFFFEF7, lr;
	s5 =	simm.s32 $0xFFFFFFFF;
	p2 =	slt.u32 s8, $0xFFFFF086  }
0x1c: {  	p1 =	slt.u32 s9, $0xF7A;
	s5 =	simm.s32 @!p2 $0x0  }
0x1d: {  	s5 =	simm.s32 @p1 $0x1;
	p0 =	seq.s32 s7, s2  }
0x1e: {  	s7 =	smul.u32 @!p0 $0xF7A, s2;
	p2 =	seq.s32 @!p0 s5, $0x0  }
0x1f: {  	s9 =	smul.u32 $0xF7A, s1;
	s8 =	simm.s32 @!p0 $0x1BF5;
	p2 =	por !p2, p0  }
0x20: {  	[sflag:s8] =	ssyncset.s32 @!p0 $0xFFFFF086;
	s6 =	sadd.s32 @!p0 s3, s7;
	s7 =	simm.s32 @!p0 $0x108  }
0x21: {  	s3 =	sadd.s32 s3, s9;
	s6 =	sadd.s32 @!p0 $0x88, s6;
	s7 =	simm.s32 @p2 $0x1082  }
0x22: {  	[simem:s7], [sflag:s8] =	dma.local @!p0 [hbm:s6], $0xF7A  }
0x23: {  	s9 =	sor.u32 $0xD0000000, s2;
	s6 =	simm.s32 $0x108;
	_ =	swait.ge @!p0 [sflag:s8], $0x0  }
0x24: {  	s3 =	sadd.s32 $0x88, s3;
	s6 =	simm.s32 @!p1 $0x1082;
	[sflag:s4] =	ssyncset.s32 $0xFFFFF086  }
0x25: {  	[simem:s6], [sflag:s4] =	dma.local [hbm:s3], $0xF7A  }
0x26: {  	[smem:$0x3F9F] =	sst s1;
	(tag) =	ssettag s2;
	_ =	strace s9  }
0x27: {  	s1 =	sld [smem:$0x3FAF]  }
0x28: {  	s2 =	sld [smem:$0x3FB0]  }
0x29: {  	s4 =	sld [smem:$0x3FB2]  }
0x2a: {  	p0 =	seq.s32 s5, $0x0;
	s5 =	sld [smem:$0x3FB3]  }
0x2b: {  	s6 =	sld [smem:$0x3FB4]  }
0x2c: {  	s7 =	sld [smem:$0x3FB5]  }
0x2d: {  	s3 =	simm.s32 $0x108;
	s8 =	sld [smem:$0x3FB6]  }
0x2e: {  	s3 =	simm.s32 @!p0 $0x1082;
	s9 =	sld [smem:$0x3FB7]  }
0x2f: {  	lr =	sadd.s32 s0, s3;
	s0 =	sld [smem:$0x3FAE]  }
0x30: {  	s3 =	sld [smem:$0x3FB1]  }
0x31: {  	[smem:$0x3FBA] =	sst s10  }
0x32: {  	s10 =	sld [smem:$0x3FB8];
	_ =	sdelay $0x3  }
0x33: {  	p0 =	seq.s32 s10, $0x1;
	s10 =	sld [smem:$0x3FBA];
	_ =	sdelay $0x3  }
0x34: {  	[smem:$0x3FBA] =	sst s10  }
0x35: {  	s10 =	sld [smem:$0x3FB9];
	_ =	sdelay $0x3  }
0x36: {  	p1 =	seq.s32 s10, $0x1;
	s10 =	sld [smem:$0x3FBA];
	_ =	sdelay $0x3  }
0x37: {  	[smem:$0x3FBA] =	sst s10  }
0x38: {  	s10 =	sld [smem:$0x3FBB]  }
0x39: {  	_ = 	snop;
	(pc) =	sbr.ind lr, $3  }
0x3a: {  	_ = 	snop  }
0x3b: {  	_ = 	snop  }
0x3c: {  	p2 =	seq.s32 s10, $0x1;
	s10 =	sld [smem:$0x3FBA]  }
0x3d: {  	_ =	shalt  }
0x3e: {  	_ =	shalt  }
0x3f: {  	_ =	shalt  }
0x40: {  	_ =	shalt  }
0x41: {  	_ =	shalt  }
0x42: {  	_ =	shalt  }
0x43: {  	_ =	shalt  }
0x44: {  	_ =	shalt  }
0x45: {  	_ =	shalt  }
0x46: {  	_ =	shalt  }
0x47: {  	_ =	shalt  }
0x48: {  	_ =	shalt  }
0x49: {  	_ =	shalt  }
0x4a: {  	_ =	shalt  }
0x4b: {  	_ =	shalt  }
0x4c: {  	_ =	shalt  }
0x4d: {  	_ =	shalt  }
0x4e: {  	_ =	shalt  }
0x4f: {  	_ =	shalt  }
0x50: {  	_ =	shalt  }
0x51: {  	_ =	shalt  }
0x52: {  	_ =	shalt  }
0x53: {  	_ =	shalt  }
0x54: {  	_ =	shalt  }
0x55: {  	_ =	shalt  }
0x56: {  	_ =	shalt  }
0x57: {  	_ =	shalt  }
0x58: {  	_ =	shalt  }
0x59: {  	_ =	shalt  }
0x5a: {  	_ =	shalt  }
0x5b: {  	_ =	shalt  }
0x5c: {  	_ =	shalt  }
0x5d: {  	_ =	shalt  }
0x5e: {  	_ =	shalt  }
0x5f: {  	_ =	shalt  }
0x60: {  	_ =	shalt  }
0x61: {  	_ =	shalt  }
0x62: {  	_ =	shalt  }
0x63: {  	_ =	shalt  }
0x64: {  	_ =	shalt  }
0x65: {  	_ =	shalt  }
0x66: {  	_ =	shalt  }
0x67: {  	_ =	shalt  }
0x68: {  	_ =	shalt  }
0x69: {  	_ =	shalt  }
0x6a: {  	_ =	shalt  }
0x6b: {  	_ =	shalt  }
0x6c: {  	_ =	shalt  }
0x6d: {  	_ =	shalt  }
0x6e: {  	_ =	shalt  }
0x6f: {  	_ =	shalt  }
0x70: {  	_ =	shalt  }
0x71: {  	_ =	shalt  }
0x72: {  	_ =	shalt  }
0x73: {  	_ =	shalt  }
0x74: {  	_ =	shalt  }
0x75: {  	_ =	shalt  }
0x76: {  	_ =	shalt  }
0x77: {  	_ =	shalt  }
0x78: {  	_ =	shalt  }
0x79: {  	_ =	shalt  }
0x7a: {  	_ =	shalt  }
0x7b: {  	_ =	shalt  }
0x7c: {  	_ =	shalt  }
0x7d: {  	_ =	shalt  }
0x7e: {  	_ =	shalt  }
0x7f: {  	_ =	shalt  }
0x80: {  	_ =	shalt  }
0x81: {  	_ =	shalt  }
0x82: {  	_ =	shalt  }
0x83: {  	_ =	shalt  }
0x84: {  	_ =	shalt  }
0x85: {  	_ =	shalt  }
0x86: {  	_ =	shalt  }
0x87: {  	_ =	shalt  }
.Lfunc_end0:
.L_simem_size_0:
called_computation_lowered:
.L_overlay_start_0:
0x88: {  	s2 =	sld [smem:$0x3FD9]  }
0x89: {  	s3 =	sld [smem:$0x3FFE];
	_ =	sdelay $0x1  }
0x8a: {  	s1 =	srdreg.scid  }
0x8b: {  	s0 =	sand.u32 $0x1, s1  }
0x8c: {  	s18 =	sshll.u32 s0, $0xA;
	s2 =	sadd.s32 s3, s2  }
0x8d: {  	s2 =	sadd.s32 s2, s18  }
0x8e: {  	[smem:$0x3FC6] =	sst s2  }
0x8f: {  	_ = 	snop  }
0x90: {  	s2 =	sld [smem:$0x3FC9]  }
0x91: {  	s19 =	sld [smem:$0x3FC8]  }
0x92: {  	s4 =	sld [smem:$0x3FD0];
	(tm) =	ssettm $0x1  }
0x93: {  	s5 =	sld [smem:$0x3FFB];
	_ =	sdelay $0x3  }
0x94: {  	_ =	strace s5  }
0x95: {  	s5 =	sld [smem:$0x3FFC];
	_ =	sdelay $0x3  }
0x96: {  	_ =	strace s5  }
0x97: {  	s5 =	sld [smem:$0x3FFD];
	_ =	sdelay $0x3  }
0x98: {  	_ =	strace s5  }
0x99: {  	_ =	strace $0x8FFFFFFF  }
0x9a: {  	s20 =	sld [smem:$0x3FDB];
	_ =	sdelay $0x1  }
0x9b: {  	s6 =	simm.s32 $_scs_section_size  }
0x9c: {  	s7 =	simm.s32 $_size__tile_overlayer_lowered;
	s8 =	simm.s32 $_tile_overlayer_lowered  }
0x9d: {  	s23 =	simm.s32 $0x1BFF;
	s22 =	sshll.u32 s8, $0x1;
	s5 =	sadd.s32 s6, s20  }
0x9e: {  	s9 =	simm.s32 $0x0;
	s21 =	sshll.u32 s7, $0x1;
	s7 =	sadd.s32 s22, s5  }
0x9f: {  	[timem:s9], [sflag:s23] =	dma.local [hbm:s7], s21  }
0xa0: {  	_ =	swait.ge [sflag:s23], s21  }
0xa1: {  	s6 =	ssub.s32 $0x0, s21;
	[sflag:s23] =	ssyncset.done $0x0  }
0xa2: {  	[sflag:s23] =	ssyncadd.s32 s6;
	_ =	sdelay $0x1  }
0xa3: {  	s24 =	simm.s32 $0x1B8B  }
0xa4: {  	_ =	swait.ge [sflag:s24], $0x1  }
0xa5: {  	[sflag:s24] =	ssyncset.done $0x0  }
0xa6: {  	s25 =	simm.s32 $0x1B8E;
	[sflag:s24] =	ssyncadd.s32 $0xFFFFFFFF  }
0xa7: {  	s26 =	simm.s32 $execute0_lowered;
	[smem:$0x3FD2] =	sst s25  }
0xa8: {  	s6 =	sshll.u32 s26, $0x1;
	_ =	strace $0x80000046;
	[dreg:$0x1] =	wrdreg $0xFFFFFFFF  }
0xa9: {  	s28 =	simm.s32 $_size_execute0_lowered;
	s5 =	sadd.s32 s5, s6;
	[dreg:$0x0] =	wrdreg $0x0  }
0xaa: {  	s6 =	sshll.u32 s28, $0x1;
	[dreg:$0x2] =	wrdreg s5  }
0xab: {  	[dreg:$0x3] =	wrdreg s6  }
0xac: {  	[dreg:$0x4] =	wrdreg $0xC0  }
0xad: {  	_ =	task [dreg:s9], $0x5FFFF  }
0xae: {  	[dreg:$0x1] =	wrdreg $0xFFFFFFFF  }
0xaf: {  	[dreg:$0x0] =	wrdreg $0x60  }
0xb0: {  	[dreg:$0x2] =	wrdreg s2  }
0xb1: {  	[dreg:$0x3] =	wrdreg s19  }
0xb2: {  	[dreg:$0x4] =	wrdreg s4  }
0xb3: {  	[dreg:$0x5] =	wrdreg $0x9  }
0xb4: {  	_ =	task.clear_ibuf [dreg:s9], $0x6FFFF;
	_ =	strace $0x90000046  }
0xb5: {  	s29 =	simm.s32 $0x9;
	_ =	strace $0x80000048  }
0xb6: {  	_ =	swait.ge [sflag:s29], $0x1  }
0xb7: {  	[sflag:s29] =	ssyncadd.s32 $0xFFFFFFFF  }
0xb8: {  	_ =	strace $0x90000048  }
0xb9: {  	_ =	sfence  }
0xba: {  	s30 =	sld [smem:$0x0];
	_ =	sdelay $0x2  }
0xbb: {  	s31 =	sshll.u32 s1, $0xD;
	s1 =	sshrl.u32 s1, $0x2  }
0xbc: {  	s3 =	sand.u32 $0x4000, s31;
	s1 =	sadd.s32 s1, s30  }
0xbd: {  	s0 =	sor.u32 s3, s0;
	s1 =	sshll.u32 s1, $0x11  }
0xbe: {  	s0 =	sor.u32 s1, s0  }
0xbf: {  	s0 =	sadd.s32 $0x8F2B, s0  }
0xc0: {  	[sflag:s0] =	ssyncadd.remote.s32 $0x1  }
0xc1: {  	_ =	sfence.sel $0xFFFF  }
0xc2: {  	[dreg:$0x0] =	wrdreg $0xFFFFFFFF;
	(pc) =	sbr.abs _section_cstart, $3  }
0xc3: {  	[dreg:$0x1] =	wrdreg $0xFFFFFFFF  }
0xc4: {  	_ =	task.clear_ibuf [dreg:s9], $0x2FFFF;
	_ =	strace $0x9FFFFFFF  }
0xc5: {  	(tm) =	ssettm $0x7FFFFFFF  }
tec
execute0_lowered:
.L_overlay_start_1:
0x0: {  	(tag) =	ssettag $0x1  }
0x1: {  	s1 =	srdreg.scid  }
0x2: {  	s24 =	sand.u32 $0x1, s1;
	s1 =	stileid.u32  }
0x3: {  	s5 =	sshll.u32 s1, $0x1;
	s6 =	ssub.s32 $0x0, s24  }
0x4: {  	p0 =	sne.s32 s5, s6  }
.Ltmp0:
0x5: {  	s11 =	rddreg [dreg:$0x0];
	(pc) =	sbr.rel @p0 .LBB2_4-.Ltmp0, $4  }
0x6: {  	s2 =	rddreg [dreg:$0x1]  }
0x7: {  	s3 =	rddreg [dreg:$0x2];
	s4 =	simm.s32 $0x0  }
0x8: {  	[smem:$0x7FF] =	sst s4  }
0x9: {  	s0 =	rddreg [dreg:$0x3];
	_ =	strace $0x80000047  }
0xa: {  	s6 =	sadd.s32 $0x3CE, s11;
	s5 =	simm.s32 $0x2  }
0xb: {  	[tilespmem:s4], [sflag:$0x2] =	stream.linear.gather [hbm4b:s6+s4], $0x10, $0x38;
	[tilespmem:$0x3100] =	vst v63  }
0xc: {  	_ =	swait.ge [sflag:s5], $0x10  }
0xd: {  	[sflag:s5] =	ssyncset.done $0x0  }
0xe: {  	s7 =	sadd.s32 $0x3DE, s11;
	s8 =	simm.s32 $0x10;
	[sflag:s5] =	ssyncadd.s32 $0xFFFFFFF0  }
0xf: {  	[tilespmem:s8], [sflag:$0x2] =	stream.linear.gather [hbm4b:s7+s4], $0x10, $0x38;
	[tilespmem:$0x3100] =	vst v63  }
0x10: {  	_ =	swait.ge [sflag:s5], $0x10  }
0x11: {  	[sflag:s5] =	ssyncset.done $0x0  }
0x12: {  	s9 =	sadd.s32 $0x3EE, s11;
	s10 =	simm.s32 $0x20;
	[sflag:s5] =	ssyncadd.s32 $0xFFFFFFF0  }
0x13: {  	[tilespmem:s10], [sflag:$0x2] =	stream.linear.gather [hbm4b:s9+s4], $0x10, $0x38;
	[tilespmem:$0x3100] =	vst v63  }
0x14: {  	_ =	swait.ge [sflag:s5], $0x10  }
0x15: {  	[sflag:s5] =	ssyncset.done $0x0  }
0x16: {  	s11 =	sadd.s32 $0x3FE, s11;
	s12 =	simm.s32 $0x30;
	[sflag:s5] =	ssyncadd.s32 $0xFFFFFFF0  }
0x17: {  	[tilespmem:s12], [sflag:$0x2] =	stream.linear.gather [hbm4b:s11+s4], $0x10, $0x38;
	[tilespmem:$0x3100] =	vst v63  }
0x18: {  	_ =	swait.ge [sflag:s5], $0x10  }
0x19: {  	[sflag:s5] =	ssyncset.done $0x0  }
0x1a: {  	[sflag:s5] =	ssyncadd.s32 $0xFFFFFFF0  }
0x1b: {  	vm0 =	vcmask $0x1310;
	vm1 =	vcmask $0x300;
	v0 =	vld [tilespmem:$0x0]  }
0x1c: {  	vm0 =	vmor vm1, vm0;
	vm1 =	vcmask $0x2320;
	v1 =	vld [tilespmem:$0x10]  }
0x1d: {  	vm2 =	vcmask $0x1710;
	vm0 =	vmor vm0, vm1;
	vm1 =	vcmask $0x3330;
	v2 =	vld [tilespmem:$0x20]  }
0x1e: {  	vm3 =	vcmask $0x700;
	vm4 =	vcmask $0xB00;
	vm0 =	vmor vm0, vm1;
	v3 =	vld [tilespmem:$0x30]  }
0x1f: {  	vm1 =	vmor vm3, vm2;
	vm2 =	vcmask $0x2720;
	vm3 =	vcmask $0x1B10  }
0x20: {  	vm1 =	vmor vm1, vm2;
	vm2 =	vcmask $0x3730;
	vm3 =	vmor vm4, vm3  }
0x21: {  	vm4 =	vcmask $0x2B20;
	v0 =	vbroadcast v0, $0xF;
	v1 =	vbroadcast v1, $0xF  }
0x22: {  	vm1 =	vmor vm1, vm2;
	vm2 =	vmor vm3, vm4;
	v2 =	vbroadcast v2, $0xF  }
0x23: {  	vm3 =	vcmask $0x3B30;
	v3 =	vbroadcast v3, $0xF;
	v0 =	vsel vm0, v0, v1  }
0x24: {  	vm2 =	vmor vm2, vm3;
	v0 =	vsel vm1, v0, v2  }
0x25: {  	v3 =	vsel vm2, v0, v3  }
0x26: {  	v0 =	vshrl.u32 v3, $0x3  }
0x27: {  	v1 =	vmul.u32 $0x30, v0  }
0x28: {  	v2 =	vlaneseq.u32;
	v4 =	vand.u32 $0x7, v3  }
0x29: {  	v5 =	vshrl.u32 v2, $0x3;
	v0 =	vand.u32 $0x7, v2;
	v4 =	vor.u32 v4, v1  }
0x2a: {  	v1 =	vmul.u32 $0x8, v5;
	v63 =	vperm.xlane v4, v0;
	_ =	sdelay $0x1  }
0x2b: {  	v5 =	vadd.s32 v1, v63;
	_ =	sdelay $0x2  }
0x2c: {  	v2 =	vor.u32 $0x8, v2  }
0x2d: {  	s13 =	simm.s32 $0x100;
	vm3 =	vmmov $0xffff;
	[tilespmem:$0x80] =	vst v3;
	v4 =	vperm.xlane v4, v2  }
0x2e: {  	[tilespmem:s13], [sflag:$0x1] =	stream.indirect_vreg.gather [hbm4b:s2+s4], $0x80, v5, vm3, $0xb8;
	[tilespmem:$0x3100] =	vst v63  }
0x2f: {  	s14 =	sadd.s32 $0x100, s2;
	s15 =	simm.s32 $0x900;
	v3 =	vadd.s32 v1, v4  }
0x30: {  	[tilespmem:s15], [sflag:$0x1] =	stream.indirect_vreg.gather [hbm4b:s14+s4], $0x80, v5, vm3, $0xb8;
	[tilespmem:$0x3100] =	vst v63  }
0x31: {  	s16 =	sadd.s32 $0x200, s2;
	s17 =	simm.s32 $0x1100  }
0x32: {  	[tilespmem:s17], [sflag:$0x1] =	stream.indirect_vreg.gather [hbm4b:s16+s4], $0x80, v5, vm3, $0xb8;
	[tilespmem:$0x3100] =	vst v63  }
0x33: {  	s18 =	simm.s32 $0x1900  }
0x34: {  	[tilespmem:s18], [sflag:$0x1] =	stream.indirect_vreg.gather [hbm4b:s2+s4], $0x80, v3, vm3, $0xb8;
	[tilespmem:$0x3100] =	vst v63  }
0x35: {  	s19 =	simm.s32 $0x2100  }
0x36: {  	[tilespmem:s19], [sflag:$0x1] =	stream.indirect_vreg.gather [hbm4b:s14+s4], $0x80, v3, vm3, $0xb8;
	[tilespmem:$0x3100] =	vst v63  }
0x37: {  	s20 =	simm.s32 $0x2900;
	s21 =	simm.s32 $0x1  }
0x38: {  	[tilespmem:s20], [sflag:$0x1] =	stream.indirect_vreg.gather [hbm4b:s16+s4], $0x80, v3, vm3, $0xb8;
	[tilespmem:$0x3100] =	vst v63  }
0x39: {  	_ =	swait.ge [sflag:s21], $0x3000  }
0x3a: {  	s28 =	ssub.s32 $0x2, s24;
	[sflag:s21] =	ssyncset.done $0x0  }
0x3b: {  	s29 =	sshrl.u32 s28, $0x1;
	[sflag:s21] =	ssyncadd.s32 $0xFFFFD000  }
0x3c: {  	[hbm4b:s3+s4] =	stream.linear.scatter [tilespmem:s13], [sflag:$0x2], $0x200, $0x38;
	[tilespmem:$0x3100] =	vst v63  }
0x3d: {  	s22 =	sadd.s32 $0x40, s3;
	s23 =	simm.s32 $0x500;
	s29 =	ssub.s32 s28, s29  }
0x3e: {  	[hbm4b:s22+s4] =	stream.linear.scatter [tilespmem:s23], [sflag:$0x2], $0x200, $0x38;
	[tilespmem:$0x3100] =	vst v63  }
0x3f: {  	s24 =	sadd.s32 $0x80, s3;
	s31 =	smax.u32 s29, $0x1  }
0x40: {  	[hbm4b:s24+s4] =	stream.linear.scatter [tilespmem:s15], [sflag:$0x2], $0x200, $0x38;
	[tilespmem:$0x3100] =	vst v63  }
0x41: {  	s25 =	sadd.s32 $0xC0, s3;
	s26 =	simm.s32 $0xD00;
	p0 =	sne.s32 s31, $0x1  }
0x42: {  	[hbm4b:s25+s4] =	stream.linear.scatter [tilespmem:s26], [sflag:$0x2], $0x200, $0x38;
	[tilespmem:$0x3100] =	vst v63  }
.Ltmp1:
0x43: {  	_ = 	snop;
	(pc) =	sbr.rel @!p0 .LBB2_3-.Ltmp1, $4  }
0x44: {  	s28 =	sadd.s32 $0x100, s3  }
0x45: {  	[hbm4b:s28+s4] =	stream.linear.scatter [tilespmem:s17], [sflag:$0x2], $0x200, $0x38;
	[tilespmem:$0x3100] =	vst v63  }
0x46: {  	s30 =	simm.s32 $0x1500;
	s29 =	sadd.s32 $0x140, s3;
	s31 =	sadd.s32 $0xFFFFFFFF, s31  }
0x47: {  	[hbm4b:s29+s4] =	stream.linear.scatter [tilespmem:s30], [sflag:$0x2], $0x200, $0x38;
	[tilespmem:$0x3100] =	vst v63  }
.LBB2_2:
0x48: {  	p0 =	sne.s32 s31, $0x1;
	s31 =	sadd.s32 $0xFFFFFFFF, s31;
	_ =	swait.ge [sflag:s5], $0xC00  }
0x49: {  	[sflag:s5] =	ssyncset.done $0x0  }
0x4a: {  	[sflag:s5] =	ssyncadd.s32 $0xFFFFF400  }
0x4b: {  	[tilespmem:s4], [sflag:$0x2] =	stream.linear.gather [hbm4b:s6+s4], $0x10, $0x38;
	[tilespmem:$0x3100] =	vst v63  }
0x4c: {  	_ =	swait.ge [sflag:s5], $0x10  }
0x4d: {  	[sflag:s5] =	ssyncset.done $0x0  }
0x4e: {  	[sflag:s5] =	ssyncadd.s32 $0xFFFFFFF0  }
0x4f: {  	[tilespmem:s8], [sflag:$0x2] =	stream.linear.gather [hbm4b:s7+s4], $0x10, $0x38;
	[tilespmem:$0x3100] =	vst v63  }
0x50: {  	_ =	swait.ge [sflag:s5], $0x10  }
0x51: {  	[sflag:s5] =	ssyncset.done $0x0  }
0x52: {  	[sflag:s5] =	ssyncadd.s32 $0xFFFFFFF0  }
0x53: {  	[tilespmem:s10], [sflag:$0x2] =	stream.linear.gather [hbm4b:s9+s4], $0x10, $0x38;
	[tilespmem:$0x3100] =	vst v63  }
0x54: {  	_ =	swait.ge [sflag:s5], $0x10  }
0x55: {  	[sflag:s5] =	ssyncset.done $0x0  }
0x56: {  	[sflag:s5] =	ssyncadd.s32 $0xFFFFFFF0  }
0x57: {  	[tilespmem:s12], [sflag:$0x2] =	stream.linear.gather [hbm4b:s11+s4], $0x10, $0x38;
	[tilespmem:$0x3100] =	vst v63  }
0x58: {  	_ =	swait.ge [sflag:s5], $0x10  }
0x59: {  	[sflag:s5] =	ssyncset.done $0x0  }
0x5a: {  	[sflag:s5] =	ssyncadd.s32 $0xFFFFFFF0  }
0x5b: {  	v3 =	vld [tilespmem:$0x20]  }
0x5c: {  	v4 =	vld [tilespmem:$0x0]  }
0x5d: {  	v5 =	vld [tilespmem:$0x10]  }
0x5e: {  	v6 =	vld [tilespmem:$0x30];
	_ =	sdelay $0x2  }
0x5f: {  	v4 =	vbroadcast v4, $0xF  }
0x60: {  	v3 =	vbroadcast v3, $0xF;
	v5 =	vbroadcast v5, $0xF  }
0x61: {  	v6 =	vbroadcast v6, $0xF  }
0x62: {  	v4 =	vsel vm0, v4, v5  }
0x63: {  	v3 =	vsel vm1, v4, v3  }
0x64: {  	v3 =	vsel vm2, v3, v6  }
0x65: {  	v4 =	vshrl.u32 v3, $0x3  }
0x66: {  	v5 =	vand.u32 $0x7, v3;
	v4 =	vmul.u32 $0x30, v4;
	_ =	sdelay $0x1  }
0x67: {  	v4 =	vor.u32 v5, v4  }
0x68: {  	v5 =	vperm.xlane v4, v0;
	v4 =	vperm.xlane v4, v2;
	_ =	sdelay $0x1  }
0x69: {  	v5 =	vadd.s32 v1, v5;
	_ =	sdelay $0x2  }
0x6a: {  	[tilespmem:$0x80] =	vst v3;
	_ =	sdelay $0x1  }
0x6b: {  	v3 =	vadd.s32 v1, v4;
	[tilespmem:s13], [sflag:$0x1] =	stream.indirect_vreg.gather [hbm4b:s2+s4], $0x80, v5, vm3, $0xb8;
	[tilespmem:$0x3100] =	vst v63  }
0x6c: {  	_ = 	snop  }
0x6d: {  	[tilespmem:s15], [sflag:$0x1] =	stream.indirect_vreg.gather [hbm4b:s14+s4], $0x80, v5, vm3, $0xb8;
	[tilespmem:$0x3100] =	vst v63  }
0x6e: {  	_ = 	snop  }
0x6f: {  	[tilespmem:s17], [sflag:$0x1] =	stream.indirect_vreg.gather [hbm4b:s16+s4], $0x80, v5, vm3, $0xb8;
	[tilespmem:$0x3100] =	vst v63  }
0x70: {  	_ = 	snop  }
0x71: {  	[tilespmem:s18], [sflag:$0x1] =	stream.indirect_vreg.gather [hbm4b:s2+s4], $0x80, v3, vm3, $0xb8;
	[tilespmem:$0x3100] =	vst v63  }
0x72: {  	_ = 	snop  }
0x73: {  	[tilespmem:s19], [sflag:$0x1] =	stream.indirect_vreg.gather [hbm4b:s14+s4], $0x80, v3, vm3, $0xb8;
	[tilespmem:$0x3100] =	vst v63  }
0x74: {  	_ = 	snop  }
0x75: {  	[tilespmem:s20], [sflag:$0x1] =	stream.indirect_vreg.gather [hbm4b:s16+s4], $0x80, v3, vm3, $0xb8;
	[tilespmem:$0x3100] =	vst v63  }
0x76: {  	_ =	swait.ge [sflag:s21], $0x3000  }
0x77: {  	[sflag:s21] =	ssyncset.done $0x0  }
0x78: {  	[sflag:s21] =	ssyncadd.s32 $0xFFFFD000  }
0x79: {  	[hbm4b:s3+s4] =	stream.linear.scatter [tilespmem:s13], [sflag:$0x2], $0x200, $0x38;
	[tilespmem:$0x3100] =	vst v63  }
0x7a: {  	_ = 	snop  }
0x7b: {  	[hbm4b:s22+s4] =	stream.linear.scatter [tilespmem:s23], [sflag:$0x2], $0x200, $0x38;
	[tilespmem:$0x3100] =	vst v63  }
0x7c: {  	_ = 	snop  }
0x7d: {  	[hbm4b:s24+s4] =	stream.linear.scatter [tilespmem:s15], [sflag:$0x2], $0x200, $0x38;
	[tilespmem:$0x3100] =	vst v63  }
0x7e: {  	_ = 	snop  }
0x7f: {  	[hbm4b:s25+s4] =	stream.linear.scatter [tilespmem:s26], [sflag:$0x2], $0x200, $0x38;
	[tilespmem:$0x3100] =	vst v63  }
.Ltmp2:
0x80: {  	_ = 	snop;
	(pc) =	sbr.rel @p0 .LBB2_2-.Ltmp2, $4  }
0x81: {  	_ = 	snop  }
0x82: {  	[hbm4b:s28+s4] =	stream.linear.scatter [tilespmem:s17], [sflag:$0x2], $0x200, $0x38;
	[tilespmem:$0x3100] =	vst v63  }
0x83: {  	_ = 	snop  }
0x84: {  	[hbm4b:s29+s4] =	stream.linear.scatter [tilespmem:s30], [sflag:$0x2], $0x200, $0x38;
	[tilespmem:$0x3100] =	vst v63  }
.LBB2_3:
0x85: {  	_ =	swait.ge [sflag:s5], $0xC00  }
0x86: {  	[sflag:s5] =	ssyncset.done $0x0  }
0x87: {  	[sflag:s5] =	ssyncadd.s32 $0xFFFFF400  }
.LBB2_4:
0x88: {  	_ =	sfence.sel $0x180000  }
0x89: {  	[bflag:$0x0] =	sbarrier.arrive $0xFFFF  }
0x8a: {  	p0 =	sne.s32 s1, $0x0;
	_ =	strace $0x90000047  }
0x8b: {  	s0 =	sadd.s32 @!p0 $0x100000, s0;
	[bflag:$0x2] =	sbarrier.arrive $0xFFFF  }
0x8c: {  	[sflag:s0] =	ssyncadd.tile.s32 @!p0 $0x1;
	_ =	shalt  }
.Lfunc_end2:
_tile_overlayer_lowered:
.L_overlay_start_2:
0x8d: {  	(tag) =	ssettag $0x2  }
0x8e: {  	s0 =	rddreg [dreg:$0x0];
	s2 =	stileid.u32  }
0x8f: {  	s1 =	rddreg [dreg:$0x1];
	p0 =	sne.s32 s2, $0x0  }
0x90: {  	s3 =	rddreg [dreg:$0x2];
	[bflag:$0x3] =	sbarrier.arrive $0xFFFF;
	s2 =	simm.s32 @!p0 $0x1C02  }
0x91: {  	[timem:s3], [sflag:s2] =	dma.local @!p0 [hbm:s0], s1  }
0x92: {  	s0 =	simm.s32 @!p0 $0x2  }
0x93: {  	_ =	swait.ge @!p0 [sflag:s0], s1  }
0x94: {  	s1 =	ssub.s32 @!p0 $0x0, s1;
	[sflag:s0] =	ssyncset.done @!p0 $0x0  }
0x95: {  	[sflag:s0] =	ssyncadd.s32 @!p0 s1  }
0x96: {  	[bflag:$0x3] =	sbarrier.arrive $0xFFFF  }
0x97: {  	_ =	shalt  }

</sc_bundles>
